<compile_context>
chip_gen: v7x
topology: tpu7x:2x2x1
jax: 0.10.2.dev20260603
libtpu: 0.0.44.dev20260713+nightly
codegen_flags: <defaults>
</compile_context>

<pallas_src>
import functools

import jax
import jax.numpy as jnp
from jax import lax
from jax.experimental import pallas as pl
from jax.experimental.pallas import tpu as pltpu
from jax.experimental.pallas import tpu_sc as plsc

NUM_CODES = 8192
DIM = 64
N_TOKENS = 16 * 576
TOK_TILE = 512
COMMITMENT_COST = 0.25

SC_CORES = 2
SC_SUBCORES = 16
SC_WORKERS = SC_CORES * SC_SUBCORES
TOK_PER_WORKER = N_TOKENS // SC_WORKERS


WINDOW = 2048
N_WINDOWS = NUM_CODES // WINDOW


def _half_argmin(dist):
    m = jnp.min(dist, axis=1, keepdims=True)
    ii = lax.broadcasted_iota(jnp.int32, dist.shape, 1)
    i = jnp.min(jnp.where(dist == m, ii, NUM_CODES), axis=1, keepdims=True)
    return m, i


def _bf16_round(v):
    return v.astype(jnp.bfloat16).astype(jnp.float32)


def _dist_argmin_body(x_ref, xsq_ref, esq_ref, cbt_ref, idx_ref, loss_ref):
    x = x_ref[...]
    cbt = cbt_ref[...]
    xsq = xsq_ref[...]
    esq = esq_ref[...]
    xb2 = (2.0 * x).astype(jnp.bfloat16)
    dn = (((1,), (0,)), ((), ()))
    mm2 = lax.dot_general(xb2, cbt, dn, preferred_element_type=jnp.float32)
    dist = (xsq + esq) - mm2
    m0, i0 = _half_argmin(dist[:, :WINDOW])
    sel_idx, sel_val = i0, m0
    carry = _bf16_round(m0)
    for w in range(1, N_WINDOWS):
        mw, iw = _half_argmin(dist[:, w * WINDOW:(w + 1) * WINDOW])
        upd = mw < carry
        sel_idx = jnp.where(upd, iw + w * WINDOW, sel_idx)
        sel_val = jnp.where(upd, mw, sel_val)
        carry = _bf16_round(jnp.where(upd, mw, carry))
    idx_ref[...] = sel_idx

    @pl.when(pl.program_id(0) == 0)
    def _init():
        loss_ref[0, 0] = 0.0

    loss_ref[0, 0] += jnp.sum(sel_val)

    @pl.when(pl.program_id(0) == pl.num_programs(0) - 1)
    def _finish():
        loss_ref[0, 0] = loss_ref[0, 0] * (COMMITMENT_COST / (N_TOKENS * DIM))


def _distances_argmin(xf, xsq, esq, cbt):
    return pl.pallas_call(
        _dist_argmin_body,
        grid=(N_TOKENS // TOK_TILE,),
        in_specs=[
            pl.BlockSpec((TOK_TILE, DIM), lambda i: (i, 0)),
            pl.BlockSpec((TOK_TILE, 1), lambda i: (i, 0)),
            pl.BlockSpec((1, NUM_CODES), lambda i: (0, 0)),
            pl.BlockSpec((DIM, NUM_CODES), lambda i: (0, 0)),
        ],
        out_specs=[
            pl.BlockSpec((TOK_TILE, 1), lambda i: (i, 0)),
            pl.BlockSpec(memory_space=pltpu.SMEM),
        ],
        out_shape=[
            jax.ShapeDtypeStruct((N_TOKENS, 1), jnp.int32),
            jax.ShapeDtypeStruct((1, 1), jnp.float32),
        ],
    )(xf, xsq, esq, cbt)


GATHER_CHUNK = 96
N_CHUNKS = TOK_PER_WORKER // GATHER_CHUNK
PAD_DIM = 128


def _make_sc_gather():
    mesh = plsc.VectorSubcoreMesh(core_axis_name="c", subcore_axis_name="s")

    @functools.partial(
        pl.kernel,
        mesh=mesh,
        out_type=jax.ShapeDtypeStruct((N_TOKENS, PAD_DIM), jnp.float32),
        scratch_types=[
            [pltpu.VMEM((GATHER_CHUNK,), jnp.int32) for _ in range(N_CHUNKS)],
            [pltpu.VMEM((GATHER_CHUNK, PAD_DIM), jnp.float32)
             for _ in range(N_CHUNKS)],
            pltpu.SemaphoreType.DMA,
        ],
    )
    def _sc_gather(cb_hbm, idx_hbm, out_hbm, idx_vs, rows_vs, sem):
        wid = lax.axis_index("s") * SC_CORES + lax.axis_index("c")
        base = wid * TOK_PER_WORKER
        for j in range(N_CHUNKS):
            pltpu.sync_copy(idx_hbm.at[pl.ds(base + j * GATHER_CHUNK,
                                             GATHER_CHUNK)], idx_vs[j])
        copies = [pltpu.async_copy(cb_hbm.at[idx_vs[j]], rows_vs[j], sem)
                  for j in range(N_CHUNKS)]
        for j in range(N_CHUNKS):
            copies[j].wait()
            pltpu.sync_copy(rows_vs[j],
                            out_hbm.at[pl.ds(base + j * GATHER_CHUNK,
                                             GATHER_CHUNK)])

    return _sc_gather


def kernel(x, codebook):
    input_shape = x.shape
    xf = x.reshape(-1, DIM)
    cbt = codebook.T
    xsq = jnp.sum(xf ** 2, axis=1, keepdims=True)
    esq = jnp.sum(codebook ** 2, axis=1)[None, :]
    idx2, loss = _distances_argmin(xf, xsq, esq, cbt)
    idx_flat = idx2.reshape(-1)
    cb_pad = jnp.concatenate([codebook, jnp.zeros_like(codebook)], axis=1)
    quantized = _make_sc_gather()(cb_pad, idx_flat)[:, :DIM]
    return (quantized.reshape(input_shape),
            idx_flat.reshape(input_shape[:-1]),
            loss.reshape(()))

# --- scband reference (transcript-rebuilt; emitter-appended) ---
"""Pipeline reference for scband-vector-quantizer-54812372632218 (READ-ONLY COPY).

The authoritative reference and input builder live on the scoring server;
editing this copy changes nothing except your own understanding.
"""

import jax, jax.numpy as jnp
import numpy as np

N_EMBEDDINGS = 8192
EMBEDDING_DIM = 64
COMMITMENT_COST = 0.25


def setup_inputs(seed: int = 0) -> dict:
    key = jax.random.key(seed)
    k1, k2 = jax.random.split(key)
    x = jax.random.normal(k1, (16, 576, 64), dtype=jnp.float32)
    # Codebook initialized uniform(-1/K, 1/K) like nn.Embedding init in the module
    codebook = jax.random.uniform(
        k2, (N_EMBEDDINGS, EMBEDDING_DIM), dtype=jnp.float32,
        minval=-1.0 / N_EMBEDDINGS, maxval=1.0 / N_EMBEDDINGS)
    return {"x": x, "codebook": codebook}


def reference(x, codebook):
    input_shape = x.shape
    flat_x = x.reshape(-1, EMBEDDING_DIM)
    # squared L2 distances to all codes: ||z||^2 + ||e||^2 - 2 z.e
    distances = (jnp.sum(flat_x ** 2, axis=1, keepdims=True)
                 + jnp.sum(codebook ** 2, axis=1)
                 - 2.0 * jnp.matmul(flat_x, codebook.T))
    encoding_indices = jnp.argmin(distances, axis=1)
    # one-hot @ codebook == gather of nearest codes
    quantized = jnp.take(codebook, encoding_indices, axis=0)
    quantized = quantized.reshape(input_shape)
    commitment_loss = jnp.mean((jax.lax.stop_gradient(quantized) - x) ** 2)
    # straight-through estimator
    quantized_st = x + jax.lax.stop_gradient(quantized - x)
    indices = encoding_indices.reshape(input_shape[:-1])
    return (quantized_st, indices, COMMITMENT_COST * commitment_loss)

if __name__ == "__main__":
    import jax
    _d = setup_inputs()
    print(jax.jit(kernel)(*tuple(_d.values())))

</pallas_src>

<mosaic_0001>
#map = affine_map<(d0, d1) -> (0, 0)>
#map1 = affine_map<(d0, d1) -> (0)>
module attributes {stable_mosaic.version = 14 : i64} {
  func.func @_sc_gather(%arg0: i32, %arg1: i32, %arg2: memref<8192x128xf32, #tpu.memory_space<hbm>>, %arg3: memref<9216xi32, #tpu.memory_space<hbm>>, %arg4: memref<9216x128xf32, #tpu.memory_space<hbm>>, %arg5: memref<96xi32, #tpu.memory_space<vmem>>, %arg6: memref<96xi32, #tpu.memory_space<vmem>>, %arg7: memref<96xi32, #tpu.memory_space<vmem>>, %arg8: memref<96x128xf32, #tpu.memory_space<vmem>>, %arg9: memref<96x128xf32, #tpu.memory_space<vmem>>, %arg10: memref<96x128xf32, #tpu.memory_space<vmem>>, %arg11: memref<!tpu.dma_semaphore, #tpu.memory_space<semaphore_mem>>) attributes {dimension_semantics = [#tpu.dimension_semantics<core_parallel>, #tpu.dimension_semantics<subcore_parallel>], iteration_bounds = array<i64: 2, 16>, scalar_prefetch = 0 : i64, scratch_operands = 7 : i64, tpu.core_type = #tpu.core_type<sc_vector_subcore>, window_params = [{transform_indices = #map}, {transform_indices = #map1}, {transform_indices = #map}]} {
    %mul3A = arith.constant 2 : i32
    %mul3A_0 = arith.muli %arg1, %mul3A : i32
    %add3A = arith.addi %mul3A_0, %arg0 : i32
    %mul3A_1 = arith.constant 288 : i32
    %mul3A_2 = arith.muli %add3A, %mul3A_1 : i32
    %add3A_3 = arith.constant 0 : i32
    %add3A_4 = arith.addi %mul3A_2, %add3A_3 : i32
    "tpu.region"() ({
      %run_scoped3A = tpu.sem_alloc : memref<!tpu.dma_semaphore, #tpu.memory_space<semaphore_mem>>
      %dma_start3A_31 = tpu.memref_slice %arg3[%add3A_4] : memref<9216xi32, #tpu.memory_space<hbm>> -> memref<96xi32, #tpu.memory_space<hbm>>
      %dma_start3A_32 = tpu.memref_slice %arg3[%add3A_4] : memref<9216xi32, #tpu.memory_space<hbm>> -> memref<96xi32, #tpu.memory_space<hbm>>
      tpu.enqueue_dma source(%dma_start3A_32 : memref<96xi32, #tpu.memory_space<hbm>>) target(%arg5 : memref<96xi32, #tpu.memory_space<vmem>>) target_semaphore(%run_scoped3A : memref<!tpu.dma_semaphore, #tpu.memory_space<semaphore_mem>>)
      %dma_wait3A_33 = tpu.memref_slice %arg3[%add3A_4] : memref<9216xi32, #tpu.memory_space<hbm>> -> memref<96xi32, #tpu.memory_space<hbm>>
      %dma_wait3A_34 = tpu.memref_slice %arg3[%add3A_4] : memref<9216xi32, #tpu.memory_space<hbm>> -> memref<96xi32, #tpu.memory_space<hbm>>
      tpu.wait_dma2 semaphore(%run_scoped3A : memref<!tpu.dma_semaphore, #tpu.memory_space<semaphore_mem>>) src(%dma_wait3A_34 : memref<96xi32, #tpu.memory_space<hbm>>) dst(%arg5 : memref<96xi32, #tpu.memory_space<vmem>>)
      tpu.yield
    }) : () -> ()
    %add3A_5 = arith.constant 96 : i32
    %add3A_6 = arith.addi %mul3A_2, %add3A_5 : i32
    "tpu.region"() ({
      %run_scoped3A = tpu.sem_alloc : memref<!tpu.dma_semaphore, #tpu.memory_space<semaphore_mem>>
      %dma_start3A_31 = tpu.memref_slice %arg3[%add3A_6] : memref<9216xi32, #tpu.memory_space<hbm>> -> memref<96xi32, #tpu.memory_space<hbm>>
      %dma_start3A_32 = tpu.memref_slice %arg3[%add3A_6] : memref<9216xi32, #tpu.memory_space<hbm>> -> memref<96xi32, #tpu.memory_space<hbm>>
      tpu.enqueue_dma source(%dma_start3A_32 : memref<96xi32, #tpu.memory_space<hbm>>) target(%arg6 : memref<96xi32, #tpu.memory_space<vmem>>) target_semaphore(%run_scoped3A : memref<!tpu.dma_semaphore, #tpu.memory_space<semaphore_mem>>)
      %dma_wait3A_33 = tpu.memref_slice %arg3[%add3A_6] : memref<9216xi32, #tpu.memory_space<hbm>> -> memref<96xi32, #tpu.memory_space<hbm>>
      %dma_wait3A_34 = tpu.memref_slice %arg3[%add3A_6] : memref<9216xi32, #tpu.memory_space<hbm>> -> memref<96xi32, #tpu.memory_space<hbm>>
      tpu.wait_dma2 semaphore(%run_scoped3A : memref<!tpu.dma_semaphore, #tpu.memory_space<semaphore_mem>>) src(%dma_wait3A_34 : memref<96xi32, #tpu.memory_space<hbm>>) dst(%arg6 : memref<96xi32, #tpu.memory_space<vmem>>)
      tpu.yield
    }) : () -> ()
    %add3A_7 = arith.constant 192 : i32
    %add3A_8 = arith.addi %mul3A_2, %add3A_7 : i32
    "tpu.region"() ({
      %run_scoped3A = tpu.sem_alloc : memref<!tpu.dma_semaphore, #tpu.memory_space<semaphore_mem>>
      %dma_start3A_31 = tpu.memref_slice %arg3[%add3A_8] : memref<9216xi32, #tpu.memory_space<hbm>> -> memref<96xi32, #tpu.memory_space<hbm>>
      %dma_start3A_32 = tpu.memref_slice %arg3[%add3A_8] : memref<9216xi32, #tpu.memory_space<hbm>> -> memref<96xi32, #tpu.memory_space<hbm>>
      tpu.enqueue_dma source(%dma_start3A_32 : memref<96xi32, #tpu.memory_space<hbm>>) target(%arg7 : memref<96xi32, #tpu.memory_space<vmem>>) target_semaphore(%run_scoped3A : memref<!tpu.dma_semaphore, #tpu.memory_space<semaphore_mem>>)
      %dma_wait3A_33 = tpu.memref_slice %arg3[%add3A_8] : memref<9216xi32, #tpu.memory_space<hbm>> -> memref<96xi32, #tpu.memory_space<hbm>>
      %dma_wait3A_34 = tpu.memref_slice %arg3[%add3A_8] : memref<9216xi32, #tpu.memory_space<hbm>> -> memref<96xi32, #tpu.memory_space<hbm>>
      tpu.wait_dma2 semaphore(%run_scoped3A : memref<!tpu.dma_semaphore, #tpu.memory_space<semaphore_mem>>) src(%dma_wait3A_34 : memref<96xi32, #tpu.memory_space<hbm>>) dst(%arg7 : memref<96xi32, #tpu.memory_space<vmem>>)
      tpu.yield
    }) : () -> ()
    %dma_start3A = arith.constant 0 : i32
    %dma_start3A_9 = arith.constant 0 : i32
    %dma_start3A_10 = tpu.memref_slice %arg2[%dma_start3A, %dma_start3A_9] : memref<8192x128xf32, #tpu.memory_space<hbm>> -> memref<8192x128xf32, #tpu.memory_space<hbm>>
    tpu.enqueue_indirect_dma source(%dma_start3A_10 : memref<8192x128xf32, #tpu.memory_space<hbm>>) target(%arg8 : memref<96x128xf32, #tpu.memory_space<vmem>>) offsets(%arg5 : memref<96xi32, #tpu.memory_space<vmem>>) semaphore(%arg11 : memref<!tpu.dma_semaphore, #tpu.memory_space<semaphore_mem>>)
    %dma_start3A_11 = arith.constant 0 : i32
    %dma_start3A_12 = arith.constant 0 : i32
    %dma_start3A_13 = tpu.memref_slice %arg2[%dma_start3A_11, %dma_start3A_12] : memref<8192x128xf32, #tpu.memory_space<hbm>> -> memref<8192x128xf32, #tpu.memory_space<hbm>>
    tpu.enqueue_indirect_dma source(%dma_start3A_13 : memref<8192x128xf32, #tpu.memory_space<hbm>>) target(%arg9 : memref<96x128xf32, #tpu.memory_space<vmem>>) offsets(%arg6 : memref<96xi32, #tpu.memory_space<vmem>>) semaphore(%arg11 : memref<!tpu.dma_semaphore, #tpu.memory_space<semaphore_mem>>)
    %dma_start3A_14 = arith.constant 0 : i32
    %dma_start3A_15 = arith.constant 0 : i32
    %dma_start3A_16 = tpu.memref_slice %arg2[%dma_start3A_14, %dma_start3A_15] : memref<8192x128xf32, #tpu.memory_space<hbm>> -> memref<8192x128xf32, #tpu.memory_space<hbm>>
    tpu.enqueue_indirect_dma source(%dma_start3A_16 : memref<8192x128xf32, #tpu.memory_space<hbm>>) target(%arg10 : memref<96x128xf32, #tpu.memory_space<vmem>>) offsets(%arg7 : memref<96xi32, #tpu.memory_space<vmem>>) semaphore(%arg11 : memref<!tpu.dma_semaphore, #tpu.memory_space<semaphore_mem>>)
    %dma_wait3A = arith.constant 0 : i32
    %dma_wait3A_17 = arith.constant 0 : i32
    %dma_wait3A_18 = tpu.memref_slice %arg2[%dma_wait3A, %dma_wait3A_17] : memref<8192x128xf32, #tpu.memory_space<hbm>> -> memref<8192x128xf32, #tpu.memory_space<hbm>>
    tpu.wait_indirect_dma semaphore(%arg11 : memref<!tpu.dma_semaphore, #tpu.memory_space<semaphore_mem>>) src(%dma_wait3A_18 : memref<8192x128xf32, #tpu.memory_space<hbm>>) dst(%arg8 : memref<96x128xf32, #tpu.memory_space<vmem>>)
    %add3A_19 = arith.constant 0 : i32
    %add3A_20 = arith.addi %mul3A_2, %add3A_19 : i32
    "tpu.region"() ({
      %run_scoped3A = tpu.sem_alloc : memref<!tpu.dma_semaphore, #tpu.memory_space<semaphore_mem>>
      %dma_start3A_31 = arith.constant 0 : i32
      %dma_start3A_32 = tpu.memref_slice %arg4[%add3A_20, %dma_start3A_31] : memref<9216x128xf32, #tpu.memory_space<hbm>> -> memref<96x128xf32, #tpu.memory_space<hbm>>
      %dma_start3A_33 = arith.constant 0 : i32
      %dma_start3A_34 = tpu.memref_slice %arg4[%add3A_20, %dma_start3A_33] : memref<9216x128xf32, #tpu.memory_space<hbm>> -> memref<96x128xf32, #tpu.memory_space<hbm>>
      tpu.enqueue_dma source(%arg8 : memref<96x128xf32, #tpu.memory_space<vmem>>) target(%dma_start3A_34 : memref<96x128xf32, #tpu.memory_space<hbm>>) target_semaphore(%run_scoped3A : memref<!tpu.dma_semaphore, #tpu.memory_space<semaphore_mem>>)
      %dma_wait3A_35 = arith.constant 0 : i32
      %dma_wait3A_36 = tpu.memref_slice %arg4[%add3A_20, %dma_wait3A_35] : memref<9216x128xf32, #tpu.memory_space<hbm>> -> memref<96x128xf32, #tpu.memory_space<hbm>>
      %dma_wait3A_37 = arith.constant 0 : i32
      %dma_wait3A_38 = tpu.memref_slice %arg4[%add3A_20, %dma_wait3A_37] : memref<9216x128xf32, #tpu.memory_space<hbm>> -> memref<96x128xf32, #tpu.memory_space<hbm>>
      tpu.wait_dma2 semaphore(%run_scoped3A : memref<!tpu.dma_semaphore, #tpu.memory_space<semaphore_mem>>) src(%arg8 : memref<96x128xf32, #tpu.memory_space<vmem>>) dst(%dma_wait3A_38 : memref<96x128xf32, #tpu.memory_space<hbm>>)
      tpu.yield
    }) : () -> ()
    %dma_wait3A_21 = arith.constant 0 : i32
    %dma_wait3A_22 = arith.constant 0 : i32
    %dma_wait3A_23 = tpu.memref_slice %arg2[%dma_wait3A_21, %dma_wait3A_22] : memref<8192x128xf32, #tpu.memory_space<hbm>> -> memref<8192x128xf32, #tpu.memory_space<hbm>>
    tpu.wait_indirect_dma semaphore(%arg11 : memref<!tpu.dma_semaphore, #tpu.memory_space<semaphore_mem>>) src(%dma_wait3A_23 : memref<8192x128xf32, #tpu.memory_space<hbm>>) dst(%arg9 : memref<96x128xf32, #tpu.memory_space<vmem>>)
    %add3A_24 = arith.constant 96 : i32
    %add3A_25 = arith.addi %mul3A_2, %add3A_24 : i32
    "tpu.region"() ({
      %run_scoped3A = tpu.sem_alloc : memref<!tpu.dma_semaphore, #tpu.memory_space<semaphore_mem>>
      %dma_start3A_31 = arith.constant 0 : i32
      %dma_start3A_32 = tpu.memref_slice %arg4[%add3A_25, %dma_start3A_31] : memref<9216x128xf32, #tpu.memory_space<hbm>> -> memref<96x128xf32, #tpu.memory_space<hbm>>
      %dma_start3A_33 = arith.constant 0 : i32
      %dma_start3A_34 = tpu.memref_slice %arg4[%add3A_25, %dma_start3A_33] : memref<9216x128xf32, #tpu.memory_space<hbm>> -> memref<96x128xf32, #tpu.memory_space<hbm>>
      tpu.enqueue_dma source(%arg9 : memref<96x128xf32, #tpu.memory_space<vmem>>) target(%dma_start3A_34 : memref<96x128xf32, #tpu.memory_space<hbm>>) target_semaphore(%run_scoped3A : memref<!tpu.dma_semaphore, #tpu.memory_space<semaphore_mem>>)
      %dma_wait3A_35 = arith.constant 0 : i32
      %dma_wait3A_36 = tpu.memref_slice %arg4[%add3A_25, %dma_wait3A_35] : memref<9216x128xf32, #tpu.memory_space<hbm>> -> memref<96x128xf32, #tpu.memory_space<hbm>>
      %dma_wait3A_37 = arith.constant 0 : i32
      %dma_wait3A_38 = tpu.memref_slice %arg4[%add3A_25, %dma_wait3A_37] : memref<9216x128xf32, #tpu.memory_space<hbm>> -> memref<96x128xf32, #tpu.memory_space<hbm>>
      tpu.wait_dma2 semaphore(%run_scoped3A : memref<!tpu.dma_semaphore, #tpu.memory_space<semaphore_mem>>) src(%arg9 : memref<96x128xf32, #tpu.memory_space<vmem>>) dst(%dma_wait3A_38 : memref<96x128xf32, #tpu.memory_space<hbm>>)
      tpu.yield
    }) : () -> ()
    %dma_wait3A_26 = arith.constant 0 : i32
    %dma_wait3A_27 = arith.constant 0 : i32
    %dma_wait3A_28 = tpu.memref_slice %arg2[%dma_wait3A_26, %dma_wait3A_27] : memref<8192x128xf32, #tpu.memory_space<hbm>> -> memref<8192x128xf32, #tpu.memory_space<hbm>>
    tpu.wait_indirect_dma semaphore(%arg11 : memref<!tpu.dma_semaphore, #tpu.memory_space<semaphore_mem>>) src(%dma_wait3A_28 : memref<8192x128xf32, #tpu.memory_space<hbm>>) dst(%arg10 : memref<96x128xf32, #tpu.memory_space<vmem>>)
    %add3A_29 = arith.constant 192 : i32
    %add3A_30 = arith.addi %mul3A_2, %add3A_29 : i32
    "tpu.region"() ({
      %run_scoped3A = tpu.sem_alloc : memref<!tpu.dma_semaphore, #tpu.memory_space<semaphore_mem>>
      %dma_start3A_31 = arith.constant 0 : i32
      %dma_start3A_32 = tpu.memref_slice %arg4[%add3A_30, %dma_start3A_31] : memref<9216x128xf32, #tpu.memory_space<hbm>> -> memref<96x128xf32, #tpu.memory_space<hbm>>
      %dma_start3A_33 = arith.constant 0 : i32
      %dma_start3A_34 = tpu.memref_slice %arg4[%add3A_30, %dma_start3A_33] : memref<9216x128xf32, #tpu.memory_space<hbm>> -> memref<96x128xf32, #tpu.memory_space<hbm>>
      tpu.enqueue_dma source(%arg10 : memref<96x128xf32, #tpu.memory_space<vmem>>) target(%dma_start3A_34 : memref<96x128xf32, #tpu.memory_space<hbm>>) target_semaphore(%run_scoped3A : memref<!tpu.dma_semaphore, #tpu.memory_space<semaphore_mem>>)
      %dma_wait3A_35 = arith.constant 0 : i32
      %dma_wait3A_36 = tpu.memref_slice %arg4[%add3A_30, %dma_wait3A_35] : memref<9216x128xf32, #tpu.memory_space<hbm>> -> memref<96x128xf32, #tpu.memory_space<hbm>>
      %dma_wait3A_37 = arith.constant 0 : i32
      %dma_wait3A_38 = tpu.memref_slice %arg4[%add3A_30, %dma_wait3A_37] : memref<9216x128xf32, #tpu.memory_space<hbm>> -> memref<96x128xf32, #tpu.memory_space<hbm>>
      tpu.wait_dma2 semaphore(%run_scoped3A : memref<!tpu.dma_semaphore, #tpu.memory_space<semaphore_mem>>) src(%arg10 : memref<96x128xf32, #tpu.memory_space<vmem>>) dst(%dma_wait3A_38 : memref<96x128xf32, #tpu.memory_space<hbm>>)
      tpu.yield
    }) : () -> ()
    return
  }
}

module attributes {stable_mosaic.version = 14 : i64} {
  func.func @_dist_argmin_body(%arg0: i32, %arg1: memref<512x64xf32, #tpu.memory_space<vmem>>, %arg2: memref<512x1xf32, #tpu.memory_space<vmem>>, %arg3: memref<1x8192xf32, #tpu.memory_space<vmem>>, %arg4: memref<64x8192xf32, #tpu.memory_space<vmem>>, %arg5: memref<512x1xi32, #tpu.memory_space<vmem>>, %arg6: memref<1x1xf32, #tpu.memory_space<smem>>) attributes {dimension_semantics = [#tpu.dimension_semantics<arbitrary>], iteration_bounds = array<i64: 18>, scalar_prefetch = 0 : i64, scratch_operands = 0 : i64, tpu.core_type = #tpu.core_type<tc>, window_params = [{transform_indices = @transform_0, window_bounds = array<i64: 512, 64>}, {transform_indices = @transform_1, window_bounds = array<i64: 512, 1>}, {pipeline_mode = #tpu.pipeline_mode<synchronous>, transform_indices = @transform_2, window_bounds = array<i64: 1, 8192>}, {pipeline_mode = #tpu.pipeline_mode<synchronous>, transform_indices = @transform_3, window_bounds = array<i64: 64, 8192>}, {transform_indices = @transform_4, window_bounds = array<i64: 512, 1>}, {transform_indices = @transform_5, window_bounds = array<i64: 1, 1>}]} {
    %get3A = arith.constant 0 : index
    %get3A_0 = arith.constant 0 : index
    %get3A_1 = vector.load %arg1[%get3A, %get3A_0] : memref<512x64xf32, #tpu.memory_space<vmem>>, vector<512x64xf32>
    %get3A_2 = arith.constant 0 : index
    %get3A_3 = arith.constant 0 : index
    %get3A_4 = vector.load %arg4[%get3A_2, %get3A_3] : memref<64x8192xf32, #tpu.memory_space<vmem>>, vector<64x8192xf32>
    %get3A_5 = arith.constant 0 : index
    %get3A_6 = arith.constant 0 : index
    %get3A_7 = vector.load %arg2[%get3A_5, %get3A_6] : memref<512x1xf32, #tpu.memory_space<vmem>>, vector<512x1xf32>
    %get3A_8 = arith.constant 0 : index
    %get3A_9 = arith.constant 0 : index
    %get3A_10 = vector.load %arg3[%get3A_8, %get3A_9] : memref<1x8192xf32, #tpu.memory_space<vmem>>, vector<1x8192xf32>
    %mul3A = arith.constant 2.000000e+00 : f32
    %mul3A_11 = vector.broadcast %mul3A : f32 to vector<512x64xf32>
    %mul3A_12 = arith.mulf %mul3A_11, %get3A_1 : vector<512x64xf32>
    %convert_element_type3A = arith.truncf %mul3A_12 : vector<512x64xf32> to vector<512x64xbf16>
    %dot_general3A = arith.constant dense<0.000000e+00> : vector<512x8192xf32>
    %dot_general3A_13 = tpu.matmul %convert_element_type3A, %get3A_4, %dot_general3A {dimension_numbers = #tpu.dot_dimension_numbers<[1], [0], [0], [1], [0, 0, 1, 1], [], []>, transpose_lhs_hint = false} : vector<512x64xbf16>, vector<64x8192xf32>, vector<512x8192xf32> -> vector<512x8192xf32>
    %add3A = vector.broadcast %get3A_7 : vector<512x1xf32> to vector<512x8192xf32>
    %add3A_14 = vector.broadcast %get3A_10 : vector<1x8192xf32> to vector<512x8192xf32>
    %add3A_15 = arith.addf %add3A, %add3A_14 : vector<512x8192xf32>
    %sub3A = arith.subf %add3A_15, %dot_general3A_13 : vector<512x8192xf32>
    %slice3A = vector.extract_strided_slice %sub3A {offsets = [0, 0], sizes = [512, 2048], strides = [1, 1]} : vector<512x8192xf32> to vector<512x2048xf32>
    %reduce_min3A = arith.constant dense<0x7F800000> : vector<512xf32>
    %reduce_min3A_16 = vector.multi_reduction <minimumf>, %slice3A, %reduce_min3A [1] : vector<512x2048xf32> to vector<512xf32>
    %broadcast_in_dim3A = vector.shape_cast %reduce_min3A_16 : vector<512xf32> to vector<512x1xf32>
    %iota3A = tpu.iota {dimensions = array<i32: 1>} : vector<512x2048xi32>
    %eq3A = vector.broadcast %broadcast_in_dim3A : vector<512x1xf32> to vector<512x2048xf32>
    %eq3A_17 = arith.cmpf oeq, %slice3A, %eq3A : vector<512x2048xf32>
    %jit3A = arith.constant 8192 : i32
    %broadcast_in_dim3A_18 = vector.broadcast %jit3A : i32 to vector<512x2048xi32>
    %select_n3A = arith.select %eq3A_17, %iota3A, %broadcast_in_dim3A_18 : vector<512x2048xi1>, vector<512x2048xi32>
    %reduce_min3A_19 = arith.constant dense<2147483647> : vector<512xi32>
    %reduce_min3A_20 = vector.multi_reduction <minsi>, %select_n3A, %reduce_min3A_19 [1] : vector<512x2048xi32> to vector<512xi32>
    %broadcast_in_dim3A_21 = vector.shape_cast %reduce_min3A_20 : vector<512xi32> to vector<512x1xi32>
    %convert_element_type3A_22 = arith.truncf %broadcast_in_dim3A : vector<512x1xf32> to vector<512x1xbf16>
    %convert_element_type3A_23 = arith.extf %convert_element_type3A_22 : vector<512x1xbf16> to vector<512x1xf32>
    %slice3A_24 = vector.extract_strided_slice %sub3A {offsets = [0, 2048], sizes = [512, 2048], strides = [1, 1]} : vector<512x8192xf32> to vector<512x2048xf32>
    %reduce_min3A_25 = arith.constant dense<0x7F800000> : vector<512xf32>
    %reduce_min3A_26 = vector.multi_reduction <minimumf>, %slice3A_24, %reduce_min3A_25 [1] : vector<512x2048xf32> to vector<512xf32>
    %broadcast_in_dim3A_27 = vector.shape_cast %reduce_min3A_26 : vector<512xf32> to vector<512x1xf32>
    %iota3A_28 = tpu.iota {dimensions = array<i32: 1>} : vector<512x2048xi32>
    %eq3A_29 = vector.broadcast %broadcast_in_dim3A_27 : vector<512x1xf32> to vector<512x2048xf32>
    %eq3A_30 = arith.cmpf oeq, %slice3A_24, %eq3A_29 : vector<512x2048xf32>
    %jit3A_31 = arith.constant 8192 : i32
    %broadcast_in_dim3A_32 = vector.broadcast %jit3A_31 : i32 to vector<512x2048xi32>
    %select_n3A_33 = arith.select %eq3A_30, %iota3A_28, %broadcast_in_dim3A_32 : vector<512x2048xi1>, vector<512x2048xi32>
    %reduce_min3A_34 = arith.constant dense<2147483647> : vector<512xi32>
    %reduce_min3A_35 = vector.multi_reduction <minsi>, %select_n3A_33, %reduce_min3A_34 [1] : vector<512x2048xi32> to vector<512xi32>
    %broadcast_in_dim3A_36 = vector.shape_cast %reduce_min3A_35 : vector<512xi32> to vector<512x1xi32>
    %lt3A = arith.cmpf olt, %broadcast_in_dim3A_27, %convert_element_type3A_23 : vector<512x1xf32>
    %add3A_37 = arith.constant 2048 : i32
    %add3A_38 = vector.broadcast %add3A_37 : i32 to vector<512x1xi32>
    %add3A_39 = arith.addi %broadcast_in_dim3A_36, %add3A_38 : vector<512x1xi32>
    %select_n3A_40 = arith.select %lt3A, %add3A_39, %broadcast_in_dim3A_21 : vector<512x1xi1>, vector<512x1xi32>
    %select_n3A_41 = arith.select %lt3A, %broadcast_in_dim3A_27, %broadcast_in_dim3A : vector<512x1xi1>, vector<512x1xf32>
    %select_n3A_42 = arith.select %lt3A, %broadcast_in_dim3A_27, %convert_element_type3A_23 : vector<512x1xi1>, vector<512x1xf32>
    %convert_element_type3A_43 = arith.truncf %select_n3A_42 : vector<512x1xf32> to vector<512x1xbf16>
    %convert_element_type3A_44 = arith.extf %convert_element_type3A_43 : vector<512x1xbf16> to vector<512x1xf32>
    %slice3A_45 = vector.extract_strided_slice %sub3A {offsets = [0, 4096], sizes = [512, 2048], strides = [1, 1]} : vector<512x8192xf32> to vector<512x2048xf32>
    %reduce_min3A_46 = arith.constant dense<0x7F800000> : vector<512xf32>
    %reduce_min3A_47 = vector.multi_reduction <minimumf>, %slice3A_45, %reduce_min3A_46 [1] : vector<512x2048xf32> to vector<512xf32>
    %broadcast_in_dim3A_48 = vector.shape_cast %reduce_min3A_47 : vector<512xf32> to vector<512x1xf32>
    %iota3A_49 = tpu.iota {dimensions = array<i32: 1>} : vector<512x2048xi32>
    %eq3A_50 = vector.broadcast %broadcast_in_dim3A_48 : vector<512x1xf32> to vector<512x2048xf32>
    %eq3A_51 = arith.cmpf oeq, %slice3A_45, %eq3A_50 : vector<512x2048xf32>
    %jit3A_52 = arith.constant 8192 : i32
    %broadcast_in_dim3A_53 = vector.broadcast %jit3A_52 : i32 to vector<512x2048xi32>
    %select_n3A_54 = arith.select %eq3A_51, %iota3A_49, %broadcast_in_dim3A_53 : vector<512x2048xi1>, vector<512x2048xi32>
    %reduce_min3A_55 = arith.constant dense<2147483647> : vector<512xi32>
    %reduce_min3A_56 = vector.multi_reduction <minsi>, %select_n3A_54, %reduce_min3A_55 [1] : vector<512x2048xi32> to vector<512xi32>
    %broadcast_in_dim3A_57 = vector.shape_cast %reduce_min3A_56 : vector<512xi32> to vector<512x1xi32>
    %lt3A_58 = arith.cmpf olt, %broadcast_in_dim3A_48, %convert_element_type3A_44 : vector<512x1xf32>
    %add3A_59 = arith.constant 4096 : i32
    %add3A_60 = vector.broadcast %add3A_59 : i32 to vector<512x1xi32>
    %add3A_61 = arith.addi %broadcast_in_dim3A_57, %add3A_60 : vector<512x1xi32>
    %select_n3A_62 = arith.select %lt3A_58, %add3A_61, %select_n3A_40 : vector<512x1xi1>, vector<512x1xi32>
    %select_n3A_63 = arith.select %lt3A_58, %broadcast_in_dim3A_48, %select_n3A_41 : vector<512x1xi1>, vector<512x1xf32>
    %select_n3A_64 = arith.select %lt3A_58, %broadcast_in_dim3A_48, %convert_element_type3A_44 : vector<512x1xi1>, vector<512x1xf32>
    %convert_element_type3A_65 = arith.truncf %select_n3A_64 : vector<512x1xf32> to vector<512x1xbf16>
    %convert_element_type3A_66 = arith.extf %convert_element_type3A_65 : vector<512x1xbf16> to vector<512x1xf32>
    %slice3A_67 = vector.extract_strided_slice %sub3A {offsets = [0, 6144], sizes = [512, 2048], strides = [1, 1]} : vector<512x8192xf32> to vector<512x2048xf32>
    %reduce_min3A_68 = arith.constant dense<0x7F800000> : vector<512xf32>
    %reduce_min3A_69 = vector.multi_reduction <minimumf>, %slice3A_67, %reduce_min3A_68 [1] : vector<512x2048xf32> to vector<512xf32>
    %broadcast_in_dim3A_70 = vector.shape_cast %reduce_min3A_69 : vector<512xf32> to vector<512x1xf32>
    %iota3A_71 = tpu.iota {dimensions = array<i32: 1>} : vector<512x2048xi32>
    %eq3A_72 = vector.broadcast %broadcast_in_dim3A_70 : vector<512x1xf32> to vector<512x2048xf32>
    %eq3A_73 = arith.cmpf oeq, %slice3A_67, %eq3A_72 : vector<512x2048xf32>
    %jit3A_74 = arith.constant 8192 : i32
    %broadcast_in_dim3A_75 = vector.broadcast %jit3A_74 : i32 to vector<512x2048xi32>
    %select_n3A_76 = arith.select %eq3A_73, %iota3A_71, %broadcast_in_dim3A_75 : vector<512x2048xi1>, vector<512x2048xi32>
    %reduce_min3A_77 = arith.constant dense<2147483647> : vector<512xi32>
    %reduce_min3A_78 = vector.multi_reduction <minsi>, %select_n3A_76, %reduce_min3A_77 [1] : vector<512x2048xi32> to vector<512xi32>
    %broadcast_in_dim3A_79 = vector.shape_cast %reduce_min3A_78 : vector<512xi32> to vector<512x1xi32>
    %lt3A_80 = arith.cmpf olt, %broadcast_in_dim3A_70, %convert_element_type3A_66 : vector<512x1xf32>
    %add3A_81 = arith.constant 6144 : i32
    %add3A_82 = vector.broadcast %add3A_81 : i32 to vector<512x1xi32>
    %add3A_83 = arith.addi %broadcast_in_dim3A_79, %add3A_82 : vector<512x1xi32>
    %select_n3A_84 = arith.select %lt3A_80, %add3A_83, %select_n3A_62 : vector<512x1xi1>, vector<512x1xi32>
    %select_n3A_85 = arith.select %lt3A_80, %broadcast_in_dim3A_70, %select_n3A_63 : vector<512x1xi1>, vector<512x1xf32>
    %swap3A = arith.constant 0 : index
    %swap3A_86 = arith.constant 0 : index
    %swap3A_87 = vector.load %arg5[%swap3A, %swap3A_86] : memref<512x1xi32, #tpu.memory_space<vmem>>, vector<512x1xi32>
    tpu.vector_store %arg5[%swap3A, %swap3A_86], %select_n3A_84 {strides = array<i32>} : memref<512x1xi32, #tpu.memory_space<vmem>>, vector<512x1xi32>,
    %eq3A_88 = arith.constant 0 : i32
    %eq3A_89 = arith.cmpi eq, %arg0, %eq3A_88 : i32
    %convert_element_type3A_90 = arith.extui %eq3A_89 : i1 to i32
    %cond3A = arith.constant 0 : i32
    %cond3A_91 = arith.cmpi ne, %convert_element_type3A_90, %cond3A : i32
    scf.if %cond3A_91 {
      %swap3A_108 = arith.constant 0.000000e+00 : f32
      %swap3A_109 = arith.constant 0 : index
      %swap3A_110 = arith.constant 0 : index
      %swap3A_111 = memref.load %arg6[%swap3A_109, %swap3A_110] : memref<1x1xf32, #tpu.memory_space<smem>>
      memref.store %swap3A_108, %arg6[%swap3A_109, %swap3A_110] : memref<1x1xf32, #tpu.memory_space<smem>>
    } else {
    }
    %get3A_92 = arith.constant 0 : index
    %get3A_93 = arith.constant 0 : index
    %get3A_94 = memref.load %arg6[%get3A_92, %get3A_93] : memref<1x1xf32, #tpu.memory_space<smem>>
    %reduce_sum3A = vector.shape_cast %select_n3A_85 : vector<512x1xf32> to vector<1x512x1xf32>
    %reduce_sum3A_95 = arith.constant dense<0.000000e+00> : vector<1xf32>
    %reduce_sum3A_96 = vector.multi_reduction <add>, %reduce_sum3A, %reduce_sum3A_95 [1, 2] : vector<1x512x1xf32> to vector<1xf32>
    %reduce_sum3A_97 = vector.shape_cast %reduce_sum3A_96 : vector<1xf32> to vector<1x1x1xf32>
    %reduce_sum3A_98 = vector.extract %reduce_sum3A_97[0, 0, 0] : f32 from vector<1x1x1xf32>
    %add3A_99 = arith.addf %get3A_94, %reduce_sum3A_98 : f32
    %swap3A_100 = arith.constant 0 : index
    %swap3A_101 = arith.constant 0 : index
    %swap3A_102 = memref.load %arg6[%swap3A_100, %swap3A_101] : memref<1x1xf32, #tpu.memory_space<smem>>
    memref.store %add3A_99, %arg6[%swap3A_100, %swap3A_101] : memref<1x1xf32, #tpu.memory_space<smem>>
    %eq3A_103 = arith.constant 17 : i32
    %eq3A_104 = arith.cmpi eq, %arg0, %eq3A_103 : i32
    %convert_element_type3A_105 = arith.extui %eq3A_104 : i1 to i32
    %cond3A_106 = arith.constant 0 : i32
    %cond3A_107 = arith.cmpi ne, %convert_element_type3A_105, %cond3A_106 : i32
    scf.if %cond3A_107 {
      %get3A_108 = arith.constant 0 : index
      %get3A_109 = arith.constant 0 : index
      %get3A_110 = memref.load %arg6[%get3A_108, %get3A_109] : memref<1x1xf32, #tpu.memory_space<smem>>
      %mul3A_111 = arith.constant 4.23855255E-7 : f32
      %mul3A_112 = arith.mulf %get3A_110, %mul3A_111 : f32
      %swap3A_113 = arith.constant 0 : index
      %swap3A_114 = arith.constant 0 : index
      %swap3A_115 = memref.load %arg6[%swap3A_113, %swap3A_114] : memref<1x1xf32, #tpu.memory_space<smem>>
      memref.store %mul3A_112, %arg6[%swap3A_113, %swap3A_114] : memref<1x1xf32, #tpu.memory_space<smem>>
    } else {
    }
    return
  }
  func.func @transform_0(%arg0: i32) -> (i32, i32) {
    %c0_i32 = arith.constant 0 : i32
    %c0_i32_0 = arith.constant 0 : i32
    return %arg0, %c0_i32 : i32, i32
  }
  func.func @transform_1(%arg0: i32) -> (i32, i32) {
    %c0_i32 = arith.constant 0 : i32
    %c0_i32_0 = arith.constant 0 : i32
    return %arg0, %c0_i32 : i32, i32
  }
  func.func @transform_2(%arg0: i32) -> (i32, i32) {
    %c0_i32 = arith.constant 0 : i32
    %c0_i32_0 = arith.constant 0 : i32
    %c0_i32_1 = arith.constant 0 : i32
    return %c0_i32, %c0_i32_0 : i32, i32
  }
  func.func @transform_3(%arg0: i32) -> (i32, i32) {
    %c0_i32 = arith.constant 0 : i32
    %c0_i32_0 = arith.constant 0 : i32
    %c0_i32_1 = arith.constant 0 : i32
    return %c0_i32, %c0_i32_0 : i32, i32
  }
  func.func @transform_4(%arg0: i32) -> (i32, i32) {
    %c0_i32 = arith.constant 0 : i32
    %c0_i32_0 = arith.constant 0 : i32
    return %arg0, %c0_i32 : i32, i32
  }
  func.func @transform_5(%arg0: i32) -> (i32, i32) {
    %c0_i32 = arith.constant 0 : i32
    %c0_i32_0 = arith.constant 0 : i32
    %c0_i32_1 = arith.constant 0 : i32
    return %c0_i32, %c0_i32_0 : i32, i32
  }
}

</mosaic_0001>

<sc_bundles>
// kernel: kernel.4.cloned.1.call-start
scs
__scs_entry_jumppad:
0x0: {  	(pc) =	sbr.rel $0x88, $3  }
0x1: {  	(tag) =	ssettag $0x0;
	lr =	simm.s32 $0x1  }
0x2: {  	[smem:$0x3F9F] =	sst lr;
	_ =	strace $0xD0000000  }
0x3: {  	_ = 	snop  }
0x4: {  	_ = 	snop  }
0x5: {  	_ = 	snop  }
0x6: {  	_ = 	snop  }
0x7: {  	_ = 	snop  }
__scs_overlays_trampoline_lowered:
0x8: {  	[smem:$0x3FAE] =	sst s0  }
0x9: {  	[smem:$0x3FAF] =	sst s1  }
0xa: {  	[smem:$0x3FB0] =	sst s2  }
0xb: {  	[smem:$0x3FB1] =	sst s3  }
0xc: {  	[smem:$0x3FB2] =	sst s4  }
0xd: {  	[smem:$0x3FB3] =	sst s5  }
0xe: {  	[smem:$0x3FB4] =	sst s6  }
0xf: {  	[smem:$0x3FB5] =	sst s7  }
0x10: {  	[smem:$0x3FB6] =	sst s8  }
0x11: {  	[smem:$0x3FB7] =	sst s9;
	s0 =	simm.s32 @!p0 $0x0  }
0x12: {  	s1 =	sld [smem:$0x3F9D];
	s0 =	simm.s32 @p0 $0x1  }
0x13: {  	[smem:$0x3FB8] =	sst s0;
	s0 =	simm.s32 @!p1 $0x0  }
0x14: {  	s2 =	sld [smem:$0x3F9C];
	s0 =	simm.s32 @p1 $0x1  }
0x15: {  	[smem:$0x3FB9] =	sst s0;
	s0 =	simm.s32 @!p2 $0x0  }
0x16: {  	s3 =	sld [smem:$0x3FDB];
	s0 =	simm.s32 @p2 $0x1  }
0x17: {  	s4 =	simm.s32 $0x1BF5;
	[smem:$0x3FBB] =	sst s0  }
0x18: {  	s0 =	sld [smem:$0x3F9E];
	_ =	swait.ge [sflag:s4], $0x0  }
0x19: {  	s7 =	sld [smem:$0x3F9F]  }
0x1a: {  	s8 =	sadd.s32 $0xFFFFE003, lr  }
0x1b: {  	s9 =	sadd.s32 $0xFFFFFEF7, lr;
	s5 =	simm.s32 $0xFFFFFFFF;
	p2 =	slt.u32 s8, $0xFFFFF086  }
0x1c: {  	p1 =	slt.u32 s9, $0xF7A;
	s5 =	simm.s32 @!p2 $0x0  }
0x1d: {  	s5 =	simm.s32 @p1 $0x1;
	p0 =	seq.s32 s7, s2  }
0x1e: {  	s7 =	smul.u32 @!p0 $0xF7A, s2;
	p2 =	seq.s32 @!p0 s5, $0x0  }
0x1f: {  	s9 =	smul.u32 $0xF7A, s1;
	s8 =	simm.s32 @!p0 $0x1BF5;
	p2 =	por !p2, p0  }
0x20: {  	[sflag:s8] =	ssyncset.s32 @!p0 $0xFFFFF086;
	s6 =	sadd.s32 @!p0 s3, s7;
	s7 =	simm.s32 @!p0 $0x108  }
0x21: {  	s3 =	sadd.s32 s3, s9;
	s6 =	sadd.s32 @!p0 $0x88, s6;
	s7 =	simm.s32 @p2 $0x1082  }
0x22: {  	[simem:s7], [sflag:s8] =	dma.local @!p0 [hbm:s6], $0xF7A  }
0x23: {  	s9 =	sor.u32 $0xD0000000, s2;
	s6 =	simm.s32 $0x108;
	_ =	swait.ge @!p0 [sflag:s8], $0x0  }
0x24: {  	s3 =	sadd.s32 $0x88, s3;
	s6 =	simm.s32 @!p1 $0x1082;
	[sflag:s4] =	ssyncset.s32 $0xFFFFF086  }
0x25: {  	[simem:s6], [sflag:s4] =	dma.local [hbm:s3], $0xF7A  }
0x26: {  	[smem:$0x3F9F] =	sst s1;
	(tag) =	ssettag s2;
	_ =	strace s9  }
0x27: {  	s1 =	sld [smem:$0x3FAF]  }
0x28: {  	s2 =	sld [smem:$0x3FB0]  }
0x29: {  	s4 =	sld [smem:$0x3FB2]  }
0x2a: {  	p0 =	seq.s32 s5, $0x0;
	s5 =	sld [smem:$0x3FB3]  }
0x2b: {  	s6 =	sld [smem:$0x3FB4]  }
0x2c: {  	s7 =	sld [smem:$0x3FB5]  }
0x2d: {  	s3 =	simm.s32 $0x108;
	s8 =	sld [smem:$0x3FB6]  }
0x2e: {  	s3 =	simm.s32 @!p0 $0x1082;
	s9 =	sld [smem:$0x3FB7]  }
0x2f: {  	lr =	sadd.s32 s0, s3;
	s0 =	sld [smem:$0x3FAE]  }
0x30: {  	s3 =	sld [smem:$0x3FB1]  }
0x31: {  	[smem:$0x3FBA] =	sst s10  }
0x32: {  	s10 =	sld [smem:$0x3FB8];
	_ =	sdelay $0x3  }
0x33: {  	p0 =	seq.s32 s10, $0x1;
	s10 =	sld [smem:$0x3FBA];
	_ =	sdelay $0x3  }
0x34: {  	[smem:$0x3FBA] =	sst s10  }
0x35: {  	s10 =	sld [smem:$0x3FB9];
	_ =	sdelay $0x3  }
0x36: {  	p1 =	seq.s32 s10, $0x1;
	s10 =	sld [smem:$0x3FBA];
	_ =	sdelay $0x3  }
0x37: {  	[smem:$0x3FBA] =	sst s10  }
0x38: {  	s10 =	sld [smem:$0x3FBB]  }
0x39: {  	_ = 	snop;
	(pc) =	sbr.ind lr, $3  }
0x3a: {  	_ = 	snop  }
0x3b: {  	_ = 	snop  }
0x3c: {  	p2 =	seq.s32 s10, $0x1;
	s10 =	sld [smem:$0x3FBA]  }
0x3d: {  	_ =	shalt  }
0x3e: {  	_ =	shalt  }
0x3f: {  	_ =	shalt  }
0x40: {  	_ =	shalt  }
0x41: {  	_ =	shalt  }
0x42: {  	_ =	shalt  }
0x43: {  	_ =	shalt  }
0x44: {  	_ =	shalt  }
0x45: {  	_ =	shalt  }
0x46: {  	_ =	shalt  }
0x47: {  	_ =	shalt  }
0x48: {  	_ =	shalt  }
0x49: {  	_ =	shalt  }
0x4a: {  	_ =	shalt  }
0x4b: {  	_ =	shalt  }
0x4c: {  	_ =	shalt  }
0x4d: {  	_ =	shalt  }
0x4e: {  	_ =	shalt  }
0x4f: {  	_ =	shalt  }
0x50: {  	_ =	shalt  }
0x51: {  	_ =	shalt  }
0x52: {  	_ =	shalt  }
0x53: {  	_ =	shalt  }
0x54: {  	_ =	shalt  }
0x55: {  	_ =	shalt  }
0x56: {  	_ =	shalt  }
0x57: {  	_ =	shalt  }
0x58: {  	_ =	shalt  }
0x59: {  	_ =	shalt  }
0x5a: {  	_ =	shalt  }
0x5b: {  	_ =	shalt  }
0x5c: {  	_ =	shalt  }
0x5d: {  	_ =	shalt  }
0x5e: {  	_ =	shalt  }
0x5f: {  	_ =	shalt  }
0x60: {  	_ =	shalt  }
0x61: {  	_ =	shalt  }
0x62: {  	_ =	shalt  }
0x63: {  	_ =	shalt  }
0x64: {  	_ =	shalt  }
0x65: {  	_ =	shalt  }
0x66: {  	_ =	shalt  }
0x67: {  	_ =	shalt  }
0x68: {  	_ =	shalt  }
0x69: {  	_ =	shalt  }
0x6a: {  	_ =	shalt  }
0x6b: {  	_ =	shalt  }
0x6c: {  	_ =	shalt  }
0x6d: {  	_ =	shalt  }
0x6e: {  	_ =	shalt  }
0x6f: {  	_ =	shalt  }
0x70: {  	_ =	shalt  }
0x71: {  	_ =	shalt  }
0x72: {  	_ =	shalt  }
0x73: {  	_ =	shalt  }
0x74: {  	_ =	shalt  }
0x75: {  	_ =	shalt  }
0x76: {  	_ =	shalt  }
0x77: {  	_ =	shalt  }
0x78: {  	_ =	shalt  }
0x79: {  	_ =	shalt  }
0x7a: {  	_ =	shalt  }
0x7b: {  	_ =	shalt  }
0x7c: {  	_ =	shalt  }
0x7d: {  	_ =	shalt  }
0x7e: {  	_ =	shalt  }
0x7f: {  	_ =	shalt  }
0x80: {  	_ =	shalt  }
0x81: {  	_ =	shalt  }
0x82: {  	_ =	shalt  }
0x83: {  	_ =	shalt  }
0x84: {  	_ =	shalt  }
0x85: {  	_ =	shalt  }
0x86: {  	_ =	shalt  }
0x87: {  	_ =	shalt  }
.Lfunc_end0:
.L_simem_size_0:
called_computation_lowered:
.L_overlay_start_0:
0x88: {  	s2 =	sld [smem:$0x3FD9]  }
0x89: {  	s3 =	sld [smem:$0x3FFE];
	_ =	sdelay $0x1  }
0x8a: {  	s1 =	srdreg.scid  }
0x8b: {  	s0 =	sand.u32 $0x1, s1  }
0x8c: {  	s14 =	sshll.u32 s0, $0xA;
	s2 =	sadd.s32 s3, s2  }
0x8d: {  	s2 =	sadd.s32 s2, s14  }
0x8e: {  	[smem:$0x3FC6] =	sst s2  }
0x8f: {  	_ = 	snop  }
0x90: {  	s2 =	sld [smem:$0x3FD0];
	_ =	sdelay $0x2  }
0x91: {  	s15 =	simm.s32 $0xA;
	s4 =	simm.s32 $0x10  }
0x92: {  	[smem:s4], [sflag:s15] =	dma.local [hbm:s2], $0x1  }
0x93: {  	_ =	swait.eq [sflag:s15], $0x1  }
0x94: {  	[sflag:s15] =	ssyncset.done $0x0  }
0x95: {  	[sflag:s15] =	ssyncadd.s32 $0xFFFFFFFF  }
0x96: {  	s16 =	sld [smem:$0x10];
	(tm) =	ssettm $0x1  }
0x97: {  	s17 =	sld [smem:$0x3FFB];
	_ =	sdelay $0x3  }
0x98: {  	_ =	strace s17  }
0x99: {  	s3 =	sld [smem:$0x3FFC];
	_ =	sdelay $0x3  }
0x9a: {  	_ =	strace s3  }
0x9b: {  	s3 =	sld [smem:$0x3FFD];
	_ =	sdelay $0x3  }
0x9c: {  	_ =	strace s3  }
0x9d: {  	_ =	strace $0x8FFFFFFF  }
0x9e: {  	s18 =	sld [smem:$0x3FDB];
	_ =	sdelay $0x1  }
0x9f: {  	s19 =	simm.s32 $_scs_section_size  }
0xa0: {  	s5 =	simm.s32 $_size__tile_overlayer_lowered;
	s6 =	simm.s32 $_tile_overlayer_lowered  }
0xa1: {  	s22 =	simm.s32 $0x1BFF;
	s21 =	sshll.u32 s6, $0x1;
	s3 =	sadd.s32 s19, s18  }
0xa2: {  	s7 =	simm.s32 $0x0;
	s20 =	sshll.u32 s5, $0x1;
	s5 =	sadd.s32 s21, s3  }
0xa3: {  	[timem:s7], [sflag:s22] =	dma.local [hbm:s5], s20  }
0xa4: {  	_ =	swait.ge [sflag:s22], s20  }
0xa5: {  	s4 =	ssub.s32 $0x0, s20;
	[sflag:s22] =	ssyncset.done $0x0  }
0xa6: {  	[sflag:s22] =	ssyncadd.s32 s4;
	_ =	sdelay $0x1  }
0xa7: {  	s23 =	simm.s32 $0x1B8B  }
0xa8: {  	_ =	swait.ge [sflag:s23], $0x1  }
0xa9: {  	[sflag:s23] =	ssyncset.done $0x0  }
0xaa: {  	s25 =	simm.s32 $0x1B8E;
	s24 =	sld [smem:$0x3FFE];
	[sflag:s23] =	ssyncadd.s32 $0xFFFFFFFF  }
0xab: {  	s26 =	simm.s32 $execute0_lowered;
	[smem:$0x3FD2] =	sst s25  }
0xac: {  	s5 =	sshll.u32 s26, $0x1;
	_ =	strace $0x80000046;
	[dreg:$0x1] =	wrdreg $0xFFFFFFFF  }
0xad: {  	s28 =	simm.s32 $_size_execute0_lowered;
	s3 =	sadd.s32 s3, s5;
	[dreg:$0x0] =	wrdreg $0x0  }
0xae: {  	s5 =	sshll.u32 s28, $0x1;
	[dreg:$0x2] =	wrdreg s3  }
0xaf: {  	[dreg:$0x3] =	wrdreg s5  }
0xb0: {  	[dreg:$0x4] =	wrdreg $0xC0  }
0xb1: {  	_ =	task [dreg:s7], $0x5FFFF  }
0xb2: {  	[dreg:$0x1] =	wrdreg $0xFFFFFFFF  }
0xb3: {  	[dreg:$0x0] =	wrdreg $0x60  }
0xb4: {  	[dreg:$0x2] =	wrdreg s24  }
0xb5: {  	[dreg:$0x3] =	wrdreg s16  }
0xb6: {  	[dreg:$0x4] =	wrdreg $0x9  }
0xb7: {  	_ =	task.clear_ibuf [dreg:s7], $0x5FFFF;
	_ =	strace $0x90000046  }
0xb8: {  	s29 =	simm.s32 $0x9;
	_ =	strace $0x80000048  }
0xb9: {  	_ =	swait.ge [sflag:s29], $0x1  }
0xba: {  	[sflag:s29] =	ssyncadd.s32 $0xFFFFFFFF  }
0xbb: {  	_ =	strace $0x90000048  }
0xbc: {  	_ =	sfence  }
0xbd: {  	s30 =	sld [smem:$0x0];
	_ =	sdelay $0x2  }
0xbe: {  	s31 =	sshll.u32 s1, $0xD;
	s1 =	sshrl.u32 s1, $0x2  }
0xbf: {  	s3 =	sand.u32 $0x4000, s31;
	s1 =	sadd.s32 s1, s30  }
0xc0: {  	s0 =	sor.u32 s3, s0;
	s1 =	sshll.u32 s1, $0x11  }
0xc1: {  	s0 =	sor.u32 s1, s0  }
0xc2: {  	s0 =	sadd.s32 $0x8F2B, s0  }
0xc3: {  	[sflag:s0] =	ssyncadd.remote.s32 $0x1  }
0xc4: {  	_ =	sfence.sel $0xFFFF  }
0xc5: {  	[dreg:$0x0] =	wrdreg $0xFFFFFFFF;
	(pc) =	sbr.abs _section_cstart, $3  }
0xc6: {  	[dreg:$0x1] =	wrdreg $0xFFFFFFFF  }
0xc7: {  	_ =	task.clear_ibuf [dreg:s7], $0x2FFFF;
	_ =	strace $0x9FFFFFFF  }
0xc8: {  	(tm) =	ssettm $0x7FFFFFFF  }
0xc9: {  	_ =	shalt  }
tec
execute0_lowered:
.L_overlay_start_1:
0x0: {  	(tag) =	ssettag $0x1  }
0x1: {  	s1 =	srdreg.scid;
	s0 =	stileid.u32  }
0x2: {  	s17 =	sand.u32 $0x1, s1;
	s29 =	sshll.u32 s0, $0x1  }
0x3: {  	s2 =	rddreg [dreg:$0x0];
	s15 =	sor.u32 s17, s29  }
0x4: {  	s8 =	rddreg [dreg:$0x1];
	s9 =	smul.u32 $0x120, s15  }
0x5: {  	s3 =	simm.s32 $0x0;
	s1 =	rddreg [dreg:$0x2]  }
0x6: {  	[smem:$0x7FF] =	sst s3;
	s4 =	sshrl.u32 s9, $0x3  }
0x7: {  	_ =	strace $0x80000047;
	s5 =	sadd.s32 s8, s4;
	s4 =	simm.s32 $0x2  }
0x8: {  	[tilespmem:s3], [sflag:$0x2] =	stream.linear.gather [hbm4b:s5+s3], $0x60, $0x38;
	[tilespmem:$0x9180] =	vst v63  }
0x9: {  	s16 =	sadd.s32 $0x60, s9;
	_ =	swait.ge [sflag:s4], $0x60  }
0xa: {  	s6 =	sshrl.u32 s16, $0x3;
	[sflag:s4] =	ssyncset.done $0x0  }
0xb: {  	s7 =	simm.s32 $0x80;
	s6 =	sadd.s32 s8, s6;
	[sflag:s4] =	ssyncadd.s32 $0xFFFFFFA0  }
0xc: {  	[tilespmem:s7], [sflag:$0x2] =	stream.linear.gather [hbm4b:s6+s3], $0x60, $0x38;
	[tilespmem:$0x9180] =	vst v63  }
0xd: {  	s18 =	sadd.s32 $0xC0, s9;
	_ =	swait.ge [sflag:s4], $0x60  }
0xe: {  	s9 =	sshrl.u32 s18, $0x3;
	[sflag:s4] =	ssyncset.done $0x0  }
0xf: {  	s8 =	sadd.s32 s8, s9;
	s9 =	simm.s32 $0x100;
	[sflag:s4] =	ssyncadd.s32 $0xFFFFFFA0  }
0x10: {  	[tilespmem:s9], [sflag:$0x2] =	stream.linear.gather [hbm4b:s8+s3], $0x60, $0x38;
	[tilespmem:$0x9180] =	vst v63  }
0x11: {  	_ =	swait.ge [sflag:s4], $0x60  }
0x12: {  	[sflag:s4] =	ssyncset.done $0x0  }
0x13: {  	s10 =	simm.s32 $0x60;
	s11 =	simm.s32 $0x180;
	[sflag:s4] =	ssyncadd.s32 $0xFFFFFFA0  }
0x14: {  	[tilespmem:s11], [sflag:$0x1] =	stream.indirect.gather [hbm4b:s2+s10], $0x80, s3, s10, $0xb8;
	[tilespmem:$0x9180] =	vst v63  }
0x15: {  	s12 =	simm.s32 $0x3180  }
0x16: {  	[tilespmem:s12], [sflag:$0x1] =	stream.indirect.gather [hbm4b:s2+s10], $0x80, s7, s10, $0xb8;
	[tilespmem:$0x9180] =	vst v63  }
0x17: {  	s13 =	simm.s32 $0x6180;
	s14 =	simm.s32 $0x1  }
0x18: {  	[tilespmem:s13], [sflag:$0x1] =	stream.indirect.gather [hbm4b:s2+s10], $0x80, s9, s10, $0xb8;
	[tilespmem:$0x9180] =	vst v63  }
0x19: {  	s15 =	smul.u32 $0x1200, s15;
	_ =	swait.ge [sflag:s14], $0x3000  }
0x1a: {  	s19 =	sadd.s32 $0x20000, s2;
	[sflag:s14] =	ssyncset.done $0x0  }
0x1b: {  	s15 =	sadd.s32 s19, s15;
	[sflag:s14] =	ssyncadd.s32 $0xFFFFD000  }
0x1c: {  	[hbm4b:s15+s3] =	stream.linear.scatter [tilespmem:s11], [sflag:$0x2], $0x3000, $0x38;
	[tilespmem:$0x9180] =	vst v63  }
0x1d: {  	_ =	swait.ge [sflag:s4], $0x3000  }
0x1e: {  	[sflag:s4] =	ssyncset.done $0x0  }
0x1f: {  	[sflag:s4] =	ssyncadd.s32 $0xFFFFD000  }
0x20: {  	_ =	swait.ge [sflag:s14], $0x3000  }
0x21: {  	s16 =	sshll.u32 s16, $0x4;
	[sflag:s14] =	ssyncset.done $0x0  }
0x22: {  	s17 =	ssub.s32 $0x2, s17;
	s16 =	sadd.s32 s19, s16;
	[sflag:s14] =	ssyncadd.s32 $0xFFFFD000  }
0x23: {  	[hbm4b:s16+s3] =	stream.linear.scatter [tilespmem:s12], [sflag:$0x2], $0x3000, $0x38;
	[tilespmem:$0x9180] =	vst v63  }
0x24: {  	s20 =	sshrl.u32 s17, $0x1;
	_ =	swait.ge [sflag:s4], $0x3000  }
0x25: {  	s20 =	ssub.s32 s17, s20;
	[sflag:s4] =	ssyncset.done $0x0  }
0x26: {  	s31 =	smax.u32 s20, $0x1;
	[sflag:s4] =	ssyncadd.s32 $0xFFFFD000  }
0x27: {  	p0 =	sne.s32 s31, $0x1;
	_ =	swait.ge [sflag:s14], $0x3000  }
.Ltmp0:
0x28: {  	s30 =	sshll.u32 s18, $0x4;
	[sflag:s14] =	ssyncset.done $0x0;
	(pc) =	sbr.rel @!p0 .LBB2_2-.Ltmp0, $4  }
0x29: {  	s17 =	sadd.s32 s19, s30;
	[sflag:s14] =	ssyncadd.s32 $0xFFFFD000  }
0x2a: {  	[hbm4b:s17+s3] =	stream.linear.scatter [tilespmem:s13], [sflag:$0x2], $0x3000, $0x38;
	[tilespmem:$0x9180] =	vst v63  }
0x2b: {  	_ =	swait.ge [sflag:s4], $0x3000  }
0x2c: {  	s18 =	sadd.s32 $0xFFFFFFFF, s31;
	[sflag:s4] =	ssyncset.done $0x0  }
.LBB2_1:
0x2d: {  	p0 =	sne.s32 s18, $0x1;
	s18 =	sadd.s32 $0xFFFFFFFF, s18;
	[sflag:s4] =	ssyncadd.s32 $0xFFFFD000  }
0x2e: {  	[tilespmem:s3], [sflag:$0x2] =	stream.linear.gather [hbm4b:s5+s3], $0x60, $0x38;
	[tilespmem:$0x9180] =	vst v63  }
0x2f: {  	_ =	swait.ge [sflag:s4], $0x60  }
0x30: {  	[sflag:s4] =	ssyncset.done $0x0  }
0x31: {  	[sflag:s4] =	ssyncadd.s32 $0xFFFFFFA0  }
0x32: {  	[tilespmem:s7], [sflag:$0x2] =	stream.linear.gather [hbm4b:s6+s3], $0x60, $0x38;
	[tilespmem:$0x9180] =	vst v63  }
0x33: {  	_ =	swait.ge [sflag:s4], $0x60  }
0x34: {  	[sflag:s4] =	ssyncset.done $0x0  }
0x35: {  	[sflag:s4] =	ssyncadd.s32 $0xFFFFFFA0  }
0x36: {  	[tilespmem:s9], [sflag:$0x2] =	stream.linear.gather [hbm4b:s8+s3], $0x60, $0x38;
	[tilespmem:$0x9180] =	vst v63  }
0x37: {  	_ =	swait.ge [sflag:s4], $0x60  }
0x38: {  	[sflag:s4] =	ssyncset.done $0x0  }
0x39: {  	[sflag:s4] =	ssyncadd.s32 $0xFFFFFFA0  }
0x3a: {  	[tilespmem:s11], [sflag:$0x1] =	stream.indirect.gather [hbm4b:s2+s10], $0x80, s3, s10, $0xb8;
	[tilespmem:$0x9180] =	vst v63  }
0x3b: {  	_ = 	snop  }
0x3c: {  	[tilespmem:s12], [sflag:$0x1] =	stream.indirect.gather [hbm4b:s2+s10], $0x80, s7, s10, $0xb8;
	[tilespmem:$0x9180] =	vst v63  }
0x3d: {  	_ = 	snop  }
0x3e: {  	[tilespmem:s13], [sflag:$0x1] =	stream.indirect.gather [hbm4b:s2+s10], $0x80, s9, s10, $0xb8;
	[tilespmem:$0x9180] =	vst v63  }
0x3f: {  	_ =	swait.ge [sflag:s14], $0x3000  }
0x40: {  	[sflag:s14] =	ssyncset.done $0x0  }
0x41: {  	[sflag:s14] =	ssyncadd.s32 $0xFFFFD000  }
0x42: {  	[hbm4b:s15+s3] =	stream.linear.scatter [tilespmem:s11], [sflag:$0x2], $0x3000, $0x38;
	[tilespmem:$0x9180] =	vst v63  }
0x43: {  	_ =	swait.ge [sflag:s4], $0x3000  }
0x44: {  	[sflag:s4] =	ssyncset.done $0x0  }
0x45: {  	[sflag:s4] =	ssyncadd.s32 $0xFFFFD000  }
0x46: {  	_ =	swait.ge [sflag:s14], $0x3000  }
0x47: {  	[sflag:s14] =	ssyncset.done $0x0  }
0x48: {  	[sflag:s14] =	ssyncadd.s32 $0xFFFFD000  }
0x49: {  	[hbm4b:s16+s3] =	stream.linear.scatter [tilespmem:s12], [sflag:$0x2], $0x3000, $0x38;
	[tilespmem:$0x9180] =	vst v63  }
0x4a: {  	_ =	swait.ge [sflag:s4], $0x3000  }
0x4b: {  	[sflag:s4] =	ssyncset.done $0x0  }
0x4c: {  	[sflag:s4] =	ssyncadd.s32 $0xFFFFD000  }
0x4d: {  	_ =	swait.ge [sflag:s14], $0x3000  }
.Ltmp1:
0x4e: {  	[sflag:s14] =	ssyncset.done $0x0;
	(pc) =	sbr.rel @p0 .LBB2_1-.Ltmp1, $4  }
0x4f: {  	[sflag:s14] =	ssyncadd.s32 $0xFFFFD000  }
0x50: {  	[hbm4b:s17+s3] =	stream.linear.scatter [tilespmem:s13], [sflag:$0x2], $0x3000, $0x38;
	[tilespmem:$0x9180] =	vst v63  }
0x51: {  	_ =	swait.ge [sflag:s4], $0x3000  }
0x52: {  	[sflag:s4] =	ssyncset.done $0x0  }
.LBB2_2:
0x53: {  	[sflag:s4] =	ssyncadd.s32 $0xFFFFD000  }
0x54: {  	_ =	sfence.sel $0x180000  }
0x55: {  	[bflag:$0x0] =	sbarrier.arrive $0xFFFF  }
0x56: {  	p0 =	sne.s32 s0, $0x0;
	_ =	strace $0x90000047  }
0x57: {  	s0 =	sadd.s32 @!p0 $0x100000, s1;
	[bflag:$0x2] =	sbarrier.arrive $0xFFFF  }
0x58: {  	[sflag:s0] =	ssyncadd.tile.s32 @!p0 $0x1;
	_ =	shalt  }
.Lfunc_end2:
_tile_overlayer_lowered:
.L_overlay_start_2:
0x59: {  	(tag) =	ssettag $0x2  }
0x5a: {  	s0 =	rddreg [dreg:$0x0];
	s2 =	stileid.u32  }
0x5b: {  	s1 =	rddreg [dreg:$0x1];
	p0 =	sne.s32 s2, $0x0  }
0x5c: {  	s3 =	rddreg [dreg:$0x2];
	[bflag:$0x3] =	sbarrier.arrive $0xFFFF;
	s2 =	simm.s32 @!p0 $0x1C02  }
0x5d: {  	[timem:s3], [sflag:s2] =	dma.local @!p0 [hbm:s0], s1  }
0x5e: {  	s0 =	simm.s32 @!p0 $0x2  }
0x5f: {  	_ =	swait.ge @!p0 [sflag:s0], s1  }
0x60: {  	s1 =	ssub.s32 @!p0 $0x0, s1;
	[sflag:s0] =	ssyncset.done @!p0 $0x0  }
0x61: {  	[sflag:s0] =	ssyncadd.s32 @!p0 s1  }
0x62: {  	[bflag:$0x3] =	sbarrier.arrive $0xFFFF  }
0x63: {  	_ =	shalt  }

</sc_bundles>
